<compile_context>
chip_gen: v7x
topology: tpu7x:2x2x1
jax: 0.10.2.dev20260603
libtpu: 0.0.44.dev20260713+nightly
codegen_flags: <defaults>
</compile_context>

<pallas_src>
import functools

import jax
import jax.numpy as jnp
from jax import lax
from jax.experimental import pallas as pl
from jax.experimental.pallas import tpu as pltpu
from jax.experimental.pallas import tpu_sc as plsc

_F32 = jnp.float32


def _iota(shape, dim):
    return lax.broadcasted_iota(jnp.int32, shape, dim).astype(_F32)


def _mm(a, b):
    return lax.dot_general(
        a, b, (((1,), (0,)), ((), ())),
        precision=lax.Precision.HIGHEST,
        preferred_element_type=_F32)


def _rank_of(a, N):
    aM = jnp.broadcast_to(a, (N, N))
    aT = aM.T
    ii = _iota((N, N), 0)
    jj = _iota((N, N), 1)
    cmp = jnp.where(aT > aM, 1.0, 0.0) + jnp.where((aT == aM) & (ii < jj), 1.0, 0.0)
    return jnp.sum(cmp, axis=0, keepdims=True)


def _rank_kernel(cls_ref, rowid_ref):
    b = pl.program_id(0)
    N = cls_ref.shape[2]
    T = N + 1
    rank = _rank_of(cls_ref[0], N)
    rankT = jnp.broadcast_to(rank, (N, N)).T
    jj = _iota((N, N), 1)
    ii = _iota((N, N), 0)
    orow = jnp.sum(jnp.where(rankT == jj, 1.0, 0.0) * ii, axis=0, keepdims=True)
    base = (b * T + 1).astype(_F32)
    rowid_ref[0] = (orow + base).astype(jnp.int32)


def _sc_gather_call(table, idx):
    B = idx.shape[0]
    D = table.shape[1]
    NC, NS = 2, 16
    per_w = B // (NC * NS)
    mesh = plsc.VectorSubcoreMesh(core_axis_name="c", subcore_axis_name="s")

    @functools.partial(
        pl.kernel, mesh=mesh,
        compiler_params=pltpu.CompilerParams(use_tc_tiling_on_sc=False),
        out_type=jax.ShapeDtypeStruct((B, D), jnp.float32),
        scratch_types=[
            pltpu.VMEM((per_w,), jnp.int32),
            pltpu.VMEM((per_w, D), jnp.float32),
            pltpu.SemaphoreType.DMA,
        ],
    )
    def gather(table_hbm, idx_hbm, out_hbm, idx_v, rows_v, sem):
        wid = lax.axis_index("s") * NC + lax.axis_index("c")
        base = wid * per_w
        pltpu.sync_copy(idx_hbm.at[pl.ds(base, per_w)], idx_v)
        pltpu.async_copy(table_hbm.at[idx_v], rows_v, sem).wait()
        pltpu.sync_copy(rows_v, out_hbm.at[pl.ds(base, per_w)])

    return gather(table, idx)


def _graph_kernel(attn_ref, out_attn_ref, mf_ref, grank_ref):
    T = attn_ref.shape[1]
    N = T - 1
    dens = N // 2
    Ns = N - dens
    G = Ns // 2

    A_full = attn_ref[0]
    a = A_full[0:1, :]
    rank = _rank_of(a, N)
    ii = _iota((N, N), 0)
    jj = _iota((N, N), 1)
    P = jnp.where(ii == rank, 1.0, 0.0)
    ordcol = jnp.sum(P * jj, axis=1, keepdims=True)

    P_hi = P[:dens, :]
    P_lo = P[dens:, :]
    A1 = A_full[1:, :]
    t1 = _mm(P_lo, A1)
    skip_attn = _mm(t1, P_lo.T)

    ii2 = _iota((Ns, Ns), 0)
    jj2 = _iota((Ns, Ns), 1)
    adj = skip_attn * jnp.where(ii2 == jj2, 0.0, 1.0)
    m1 = jnp.max(adj, axis=1, keepdims=True)
    j1 = jnp.min(jnp.where(adj == m1, jj2, 1e9), axis=1, keepdims=True)
    sel1 = jj2 == j1
    adj_excl = jnp.where(sel1, -3.0e38, adj)
    m2 = jnp.max(adj_excl, axis=1, keepdims=True)
    j2 = jnp.min(jnp.where(adj_excl == m2, jj2, 1e9), axis=1, keepdims=True)
    self_f = jnp.where(sel1 | (jj2 == j2), 1.0, 0.0)
    binf = jnp.where((self_f + self_f.T) > 0, 1.0, 0.0)
    w = adj * binf
    validf = jnp.where(w != 0, 1.0, 0.0)

    def col_avg(mf):
        deg = jnp.sum(mf, axis=0, keepdims=True)
        s = jnp.sum(w * mf, axis=0, keepdims=True)
        return jnp.where(deg > 0, s / deg, 0.0), deg

    avg0, deg0 = col_avg(validf)
    avgM0 = jnp.broadcast_to(avg0, (Ns, Ns))
    degM0 = jnp.broadcast_to(deg0, (Ns, Ns))
    nan_ok = jnp.where((degM0 > 0) & (degM0.T > 0), 1.0, 0.0)
    cur0 = validf * nan_ok * jnp.where(avgM0 > avgM0.T, 1.0, 0.0)

    def body(st):
        _, cur = st
        avg, _ = col_avg(cur)
        avgM = jnp.broadcast_to(avg, (Ns, Ns))
        return (cur, cur * jnp.where(avgM > avgM.T, 1.0, 0.0))

    st = body((validf, cur0))
    st = lax.while_loop(lambda s: jnp.sum(s[1]) != jnp.sum(s[0]), body, st)
    mf = st[0]
    mf_ref[0] = mf

    nd = jnp.sum(mf, axis=0, keepdims=True)
    ndM = jnp.broadcast_to(nd, (Ns, Ns))
    gcmp = jnp.where(ndM.T > ndM, 1.0, 0.0) + jnp.where((ndM.T == ndM) & (ii2 < jj2), 1.0, 0.0)
    grank = jnp.sum(gcmp, axis=0, keepdims=True)
    grank_ref[0] = grank
    Gmat = jnp.where(_iota((G, Ns), 0) == grank, 1.0, 0.0)
    ord_hi = _mm(Gmat, ordcol[dens:, :])

    AR = jnp.concatenate([a, _mm(P_hi, A1), _mm(Gmat, t1)], axis=0)
    Ccol = jnp.concatenate([ordcol[:dens, :], ord_hi], axis=0)
    vv = _iota((dens + G, N), 1)
    Csel = jnp.where(vv == Ccol, 1.0, 0.0)
    out_attn_ref[0] = _mm(AR, Csel.T)


def _emb_kernel(tk0_ref, x_ref, mf_ref, grank_ref, out_tok_ref):
    N = x_ref.shape[1]
    dens = N // 2
    Ns = N - dens
    G = Ns // 2
    ns_tok = x_ref[0, :dens, :]
    skip = x_ref[0, dens:, :]
    mf = mf_ref[0]
    out_embs = _mm(mf.T, skip) + skip
    Gmat = jnp.where(_iota((G, Ns), 0) == grank_ref[0], 1.0, 0.0)
    g_embs = _mm(Gmat, out_embs)
    out_tok_ref[0] = jnp.concatenate([tk0_ref[0], ns_tok, g_embs], axis=0)


def kernel(tk, attention):
    B, T, D = tk.shape
    N = T - 1
    dens = N // 2
    Ns = N - dens
    G = Ns // 2
    To = dens + G + 1
    No = dens + G

    cls = attention[:, 0:1, :]
    rowids = pl.pallas_call(
        _rank_kernel,
        grid=(B,),
        in_specs=[pl.BlockSpec((1, 1, N), lambda b: (b, 0, 0))],
        out_specs=pl.BlockSpec((1, 1, N), lambda b: (b, 0, 0)),
        out_shape=jax.ShapeDtypeStruct((B, 1, N), jnp.int32),
    )(cls)

    x_all = _sc_gather_call(tk.reshape(B * T, D), rowids.reshape(B * N))
    x_all = x_all.reshape(B, N, D)

    attn_out, mf, grank = pl.pallas_call(
        _graph_kernel,
        grid=(B,),
        in_specs=[pl.BlockSpec((1, T, N), lambda b: (b, 0, 0))],
        out_specs=(
            pl.BlockSpec((1, To, No), lambda b: (b, 0, 0)),
            pl.BlockSpec((1, Ns, Ns), lambda b: (b, 0, 0)),
            pl.BlockSpec((1, 1, Ns), lambda b: (b, 0, 0)),
        ),
        out_shape=(
            jax.ShapeDtypeStruct((B, To, No), attention.dtype),
            jax.ShapeDtypeStruct((B, Ns, Ns), _F32),
            jax.ShapeDtypeStruct((B, 1, Ns), _F32),
        ),
    )(attention)

    tok_out = pl.pallas_call(
        _emb_kernel,
        grid=(B,),
        in_specs=[
            pl.BlockSpec((1, 1, D), lambda b: (b, 0, 0)),
            pl.BlockSpec((1, N, D), lambda b: (b, 0, 0)),
            pl.BlockSpec((1, Ns, Ns), lambda b: (b, 0, 0)),
            pl.BlockSpec((1, 1, Ns), lambda b: (b, 0, 0)),
        ],
        out_specs=pl.BlockSpec((1, To, D), lambda b: (b, 0, 0)),
        out_shape=jax.ShapeDtypeStruct((B, To, D), tk.dtype),
    )(tk[:, 0:1, :], x_all, mf, grank)

    return tok_out, attn_out

# --- scband reference (transcript-rebuilt; emitter-appended) ---
"""Pipeline reference for scband-gnn-70858370449990 (READ-ONLY COPY).

The authoritative reference and input builder live on the scoring server;
editing this copy changes nothing except your own understanding.
"""

import jax, jax.numpy as jnp
import numpy as np

KEEP_RATIO = 0.5
GROUP_RATIO = 0.5
TOPK = 2


def setup_inputs(seed: int = 0) -> dict:
    key = jax.random.key(seed)
    k1, k2 = jax.random.split(key)
    tk = jax.random.normal(k1, (16, 257, 192), dtype=jnp.float32)
    attention = jax.random.uniform(k2, (16, 257, 256), dtype=jnp.float32)
    return {"tk": tk, "attention": attention}


def _forward(tk, attention):
    B, T, D = tk.shape
    N = T - 1
    # ---- get_tokens / node_sparsify (cls-attention reordering) ----
    cls_tk = tk[:, 0:1, :]
    tokens = tk[:, 1:, :]
    cls_attn = attention[:, 0, :]  # [B, N]
    order = jnp.argsort(-cls_attn, axis=1)  # descending sort indices
    x = jnp.take_along_axis(tokens, order[:, :, None], axis=1)
    attn = attention
    attn = attn.at[:, 1:, :].set(jnp.take_along_axis(attn[:, 1:, :], order[:, :, None], axis=1))
    attn_t = jnp.swapaxes(attn, 1, 2)  # [B, N, N+1]
    attn_t = jnp.take_along_axis(attn_t, order[:, :, None], axis=1)
    attn = jnp.swapaxes(attn_t, 1, 2)
    density = int(N * KEEP_RATIO)
    non_skip = x[:, :density]
    skip = x[:, density:]  # [B, Ns, D]
    skip_attn = attn[:, density + 1:, density:]  # [B, Ns, Ns]
    Ns = N - density
    skip_flat = skip.reshape(-1, D)  # [B*Ns, D]
    Nn = B * Ns
    # ---- KthAverageAggregator.construct_graph ----
    eye = jnp.eye(Ns, dtype=skip_attn.dtype)
    adj = skip_attn * (1.0 - eye)[None]
    topk_idx = jax.lax.top_k(adj, TOPK)[1]  # [B, Ns, k]
    bi = jnp.arange(B)[:, None, None]
    ri = jnp.arange(Ns)[None, :, None]
    binary = jnp.zeros_like(adj).at[bi, ri, topk_idx].set(1.0)
    binary = ((binary + jnp.swapaxes(binary, 1, 2)) > 0).astype(adj.dtype)
    adj = adj * binary
    # dense_to_sparse over batched adj (block-diagonal node ids)
    b_off = (jnp.arange(B) * Ns)[:, None, None]
    src = jnp.broadcast_to(b_off + jnp.arange(Ns)[None, :, None], (B, Ns, Ns)).reshape(-1)
    dst = jnp.broadcast_to(b_off + jnp.arange(Ns)[None, None, :], (B, Ns, Ns)).reshape(-1)
    w = adj.reshape(-1)
    w_sg = jax.lax.stop_gradient(w)
    valid = w_sg != 0

    # ---- directional_filter as fixed-point over edge masks ----
    def _avg(mask, nanfix):
        mf = mask.astype(w_sg.dtype)
        deg = jax.ops.segment_sum(mf, dst, num_segments=Nn)
        s = jax.ops.segment_sum(w_sg * mf, dst, num_segments=Nn)
        avg = s / deg
        if nanfix:
            avg = jnp.where(jnp.isnan(avg), 0.0, avg)
        return avg

    avg0 = _avg(valid, False)
    cur0 = (avg0[dst] > avg0[src]) & valid

    def body(state):
        _, cur = state
        active = cur
        avg = _avg(active, True)
        new_cur = (avg[dst] > avg[src]) & active
        return (active, new_cur)

    state = body((valid, cur0))  # torch while-loop always runs body once
    state = jax.lax.while_loop(lambda st: jnp.sum(st[1]) != jnp.sum(st[0]), body, state)
    final_mask = jax.lax.stop_gradient(state[0])
    mf = final_mask.astype(skip_flat.dtype)
    # ---- add_self_loops + propagate (sum aggregation, message = x_j) ----
    msg = skip_flat[src] * mf[:, None]
    out = jax.ops.segment_sum(msg, dst, num_segments=Nn) + skip_flat
    skip_embs = out.reshape(B, Ns, D)
    # ---- degree-based grouping ----
    node_degree = jax.ops.segment_sum(mf, dst, num_segments=Nn).reshape(B, Ns)
    G = int(Ns * GROUP_RATIO)
    group_idx = jax.lax.top_k(node_degree, G)[1]  # [B, G]
    skip_embs = jnp.take_along_axis(skip_embs, group_idx[:, :, None], axis=1)
    attn = attn.at[:, density + 1:density + 1 + G, :].set(
        jnp.take_along_axis(attn[:, density + 1:, :], group_idx[:, :, None], axis=1))
    attn_t = jnp.swapaxes(attn, 1, 2)  # [B, N, N+1]
    attn_t = attn_t.at[:, density:density + G, :].set(
        jnp.take_along_axis(attn_t[:, density:, :], group_idx[:, :, None], axis=1))
    attn = jnp.swapaxes(attn_t, 1, 2)
    attn = attn[:, 0:density + G + 1, 0:density + G]
    out_tokens = jnp.concatenate([cls_tk, non_skip, skip_embs], axis=1)
    return out_tokens, attn


def reference(tk, attention):
    return _forward(tk, attention)

if __name__ == "__main__":
    import jax
    _d = setup_inputs()
    print(jax.jit(kernel)(*tuple(_d.values())))

</pallas_src>

<mosaic_0001>
#map = affine_map<(d0, d1) -> (0, 0)>
#map1 = affine_map<(d0, d1) -> (0)>
module attributes {stable_mosaic.version = 14 : i64} {
  func.func @gather(%arg0: i32, %arg1: i32, %arg2: memref<4112x192xf32, #tpu.memory_space<hbm>>, %arg3: memref<4096xi32, #tpu.memory_space<hbm>>, %arg4: memref<4096x192xf32, #tpu.memory_space<hbm>>, %arg5: memref<128xi32, #tpu.memory_space<vmem>>, %arg6: memref<128x192xf32, #tpu.memory_space<vmem>>, %arg7: memref<!tpu.dma_semaphore, #tpu.memory_space<semaphore_mem>>) attributes {dimension_semantics = [#tpu.dimension_semantics<core_parallel>, #tpu.dimension_semantics<subcore_parallel>], iteration_bounds = array<i64: 2, 16>, scalar_prefetch = 0 : i64, scratch_operands = 3 : i64, tpu.core_type = #tpu.core_type<sc_vector_subcore>, window_params = [{transform_indices = #map}, {transform_indices = #map1}, {transform_indices = #map}]} {
    %mul3A = arith.constant 2 : i32
    %mul3A_0 = arith.muli %arg1, %mul3A : i32
    %add3A = arith.addi %mul3A_0, %arg0 : i32
    %mul3A_1 = arith.constant 128 : i32
    %mul3A_2 = arith.muli %add3A, %mul3A_1 : i32
    "tpu.region"() ({
      %run_scoped3A = tpu.sem_alloc : memref<!tpu.dma_semaphore, #tpu.memory_space<semaphore_mem>>
      %dma_start3A_7 = tpu.memref_slice %arg3[%mul3A_2] : memref<4096xi32, #tpu.memory_space<hbm>> -> memref<128xi32, #tpu.memory_space<hbm>>
      %dma_start3A_8 = tpu.memref_slice %arg3[%mul3A_2] : memref<4096xi32, #tpu.memory_space<hbm>> -> memref<128xi32, #tpu.memory_space<hbm>>
      tpu.enqueue_dma source(%dma_start3A_8 : memref<128xi32, #tpu.memory_space<hbm>>) target(%arg5 : memref<128xi32, #tpu.memory_space<vmem>>) target_semaphore(%run_scoped3A : memref<!tpu.dma_semaphore, #tpu.memory_space<semaphore_mem>>)
      %dma_wait3A_9 = tpu.memref_slice %arg3[%mul3A_2] : memref<4096xi32, #tpu.memory_space<hbm>> -> memref<128xi32, #tpu.memory_space<hbm>>
      %dma_wait3A_10 = tpu.memref_slice %arg3[%mul3A_2] : memref<4096xi32, #tpu.memory_space<hbm>> -> memref<128xi32, #tpu.memory_space<hbm>>
      tpu.wait_dma2 semaphore(%run_scoped3A : memref<!tpu.dma_semaphore, #tpu.memory_space<semaphore_mem>>) src(%dma_wait3A_10 : memref<128xi32, #tpu.memory_space<hbm>>) dst(%arg5 : memref<128xi32, #tpu.memory_space<vmem>>)
      tpu.yield
    }) : () -> ()
    %dma_start3A = arith.constant 0 : i32
    %dma_start3A_3 = arith.constant 0 : i32
    %dma_start3A_4 = tpu.memref_slice %arg2[%dma_start3A, %dma_start3A_3] : memref<4112x192xf32, #tpu.memory_space<hbm>> -> memref<4112x192xf32, #tpu.memory_space<hbm>>
    tpu.enqueue_indirect_dma source(%dma_start3A_4 : memref<4112x192xf32, #tpu.memory_space<hbm>>) target(%arg6 : memref<128x192xf32, #tpu.memory_space<vmem>>) offsets(%arg5 : memref<128xi32, #tpu.memory_space<vmem>>) semaphore(%arg7 : memref<!tpu.dma_semaphore, #tpu.memory_space<semaphore_mem>>)
    %dma_wait3A = arith.constant 0 : i32
    %dma_wait3A_5 = arith.constant 0 : i32
    %dma_wait3A_6 = tpu.memref_slice %arg2[%dma_wait3A, %dma_wait3A_5] : memref<4112x192xf32, #tpu.memory_space<hbm>> -> memref<4112x192xf32, #tpu.memory_space<hbm>>
    tpu.wait_indirect_dma semaphore(%arg7 : memref<!tpu.dma_semaphore, #tpu.memory_space<semaphore_mem>>) src(%dma_wait3A_6 : memref<4112x192xf32, #tpu.memory_space<hbm>>) dst(%arg6 : memref<128x192xf32, #tpu.memory_space<vmem>>)
    "tpu.region"() ({
      %run_scoped3A = tpu.sem_alloc : memref<!tpu.dma_semaphore, #tpu.memory_space<semaphore_mem>>
      %dma_start3A_7 = arith.constant 0 : i32
      %dma_start3A_8 = tpu.memref_slice %arg4[%mul3A_2, %dma_start3A_7] : memref<4096x192xf32, #tpu.memory_space<hbm>> -> memref<128x192xf32, #tpu.memory_space<hbm>>
      %dma_start3A_9 = arith.constant 0 : i32
      %dma_start3A_10 = tpu.memref_slice %arg4[%mul3A_2, %dma_start3A_9] : memref<4096x192xf32, #tpu.memory_space<hbm>> -> memref<128x192xf32, #tpu.memory_space<hbm>>
      tpu.enqueue_dma source(%arg6 : memref<128x192xf32, #tpu.memory_space<vmem>>) target(%dma_start3A_10 : memref<128x192xf32, #tpu.memory_space<hbm>>) target_semaphore(%run_scoped3A : memref<!tpu.dma_semaphore, #tpu.memory_space<semaphore_mem>>)
      %dma_wait3A_11 = arith.constant 0 : i32
      %dma_wait3A_12 = tpu.memref_slice %arg4[%mul3A_2, %dma_wait3A_11] : memref<4096x192xf32, #tpu.memory_space<hbm>> -> memref<128x192xf32, #tpu.memory_space<hbm>>
      %dma_wait3A_13 = arith.constant 0 : i32
      %dma_wait3A_14 = tpu.memref_slice %arg4[%mul3A_2, %dma_wait3A_13] : memref<4096x192xf32, #tpu.memory_space<hbm>> -> memref<128x192xf32, #tpu.memory_space<hbm>>
      tpu.wait_dma2 semaphore(%run_scoped3A : memref<!tpu.dma_semaphore, #tpu.memory_space<semaphore_mem>>) src(%arg6 : memref<128x192xf32, #tpu.memory_space<vmem>>) dst(%dma_wait3A_14 : memref<128x192xf32, #tpu.memory_space<hbm>>)
      tpu.yield
    }) : () -> ()
    return
  }
}

module attributes {stable_mosaic.version = 14 : i64} {
  func.func @_rank_kernel(%arg0: i32, %arg1: memref<1x1x256xf32, #tpu.memory_space<vmem>>, %arg2: memref<1x1x256xi32, #tpu.memory_space<vmem>>) attributes {dimension_semantics = [#tpu.dimension_semantics<arbitrary>], iteration_bounds = array<i64: 16>, scalar_prefetch = 0 : i64, scratch_operands = 0 : i64, tpu.core_type = #tpu.core_type<tc>, window_params = [{transform_indices = @transform_0, window_bounds = array<i64: 1, 1, 256>}, {transform_indices = @transform_1, window_bounds = array<i64: 1, 1, 256>}]} {
    %get3A = arith.constant 0 : index
    %get3A_0 = arith.constant 0 : index
    %get3A_1 = arith.constant 0 : index
    %get3A_2 = vector.load %arg1[%get3A, %get3A_0, %get3A_1] : memref<1x1x256xf32, #tpu.memory_space<vmem>>, vector<1x1x256xf32>
    %get3A_3 = vector.shape_cast %get3A_2 : vector<1x1x256xf32> to vector<1x256xf32>
    %broadcast_in_dim3A = vector.shape_cast %get3A_3 : vector<1x256xf32> to vector<1x256xf32>
    %broadcast_in_dim3A_4 = vector.broadcast %broadcast_in_dim3A : vector<1x256xf32> to vector<256x256xf32>
    %transpose3A = tpu.transpose %broadcast_in_dim3A_4, [1, 0] : vector<256x256xf32> -> vector<256x256xf32>
    %iota3A = tpu.iota {dimensions = array<i32: 0>} : vector<256x256xi32>
    %convert_element_type3A = arith.sitofp %iota3A : vector<256x256xi32> to vector<256x256xf32>
    %iota3A_5 = tpu.iota {dimensions = array<i32: 1>} : vector<256x256xi32>
    %convert_element_type3A_6 = arith.sitofp %iota3A_5 : vector<256x256xi32> to vector<256x256xf32>
    %gt3A = arith.cmpf ogt, %transpose3A, %broadcast_in_dim3A_4 : vector<256x256xf32>
    %jit3A = arith.constant 1.000000e+00 : f32
    %jit3A_7 = arith.constant 0.000000e+00 : f32
    %broadcast_in_dim3A_8 = vector.broadcast %jit3A : f32 to vector<256x256xf32>
    %broadcast_in_dim3A_9 = vector.broadcast %jit3A_7 : f32 to vector<256x256xf32>
    %select_n3A = arith.select %gt3A, %broadcast_in_dim3A_8, %broadcast_in_dim3A_9 : vector<256x256xi1>, vector<256x256xf32>
    %eq3A = arith.cmpf oeq, %transpose3A, %broadcast_in_dim3A_4 : vector<256x256xf32>
    %lt3A = arith.cmpf olt, %convert_element_type3A, %convert_element_type3A_6 : vector<256x256xf32>
    %and3A = arith.andi %eq3A, %lt3A : vector<256x256xi1>
    %jit3A_10 = arith.constant 1.000000e+00 : f32
    %jit3A_11 = arith.constant 0.000000e+00 : f32
    %broadcast_in_dim3A_12 = vector.broadcast %jit3A_10 : f32 to vector<256x256xf32>
    %broadcast_in_dim3A_13 = vector.broadcast %jit3A_11 : f32 to vector<256x256xf32>
    %select_n3A_14 = arith.select %and3A, %broadcast_in_dim3A_12, %broadcast_in_dim3A_13 : vector<256x256xi1>, vector<256x256xf32>
    %add3A = arith.addf %select_n3A, %select_n3A_14 : vector<256x256xf32>
    %reduce_sum3A = arith.constant dense<0.000000e+00> : vector<256xf32>
    %reduce_sum3A_15 = vector.multi_reduction <add>, %add3A, %reduce_sum3A [0] : vector<256x256xf32> to vector<256xf32>
    %broadcast_in_dim3A_16 = vector.shape_cast %reduce_sum3A_15 : vector<256xf32> to vector<1x256xf32>
    %broadcast_in_dim3A_17 = vector.shape_cast %broadcast_in_dim3A_16 : vector<1x256xf32> to vector<1x256xf32>
    %broadcast_in_dim3A_18 = vector.broadcast %broadcast_in_dim3A_17 : vector<1x256xf32> to vector<256x256xf32>
    %transpose3A_19 = tpu.transpose %broadcast_in_dim3A_18, [1, 0] : vector<256x256xf32> -> vector<256x256xf32>
    %iota3A_20 = tpu.iota {dimensions = array<i32: 1>} : vector<256x256xi32>
    %convert_element_type3A_21 = arith.sitofp %iota3A_20 : vector<256x256xi32> to vector<256x256xf32>
    %iota3A_22 = tpu.iota {dimensions = array<i32: 0>} : vector<256x256xi32>
    %convert_element_type3A_23 = arith.sitofp %iota3A_22 : vector<256x256xi32> to vector<256x256xf32>
    %eq3A_24 = arith.cmpf oeq, %transpose3A_19, %convert_element_type3A_21 : vector<256x256xf32>
    %jit3A_25 = arith.constant 1.000000e+00 : f32
    %jit3A_26 = arith.constant 0.000000e+00 : f32
    %broadcast_in_dim3A_27 = vector.broadcast %jit3A_25 : f32 to vector<256x256xf32>
    %broadcast_in_dim3A_28 = vector.broadcast %jit3A_26 : f32 to vector<256x256xf32>
    %select_n3A_29 = arith.select %eq3A_24, %broadcast_in_dim3A_27, %broadcast_in_dim3A_28 : vector<256x256xi1>, vector<256x256xf32>
    %mul3A = arith.mulf %select_n3A_29, %convert_element_type3A_23 : vector<256x256xf32>
    %reduce_sum3A_30 = arith.constant dense<0.000000e+00> : vector<256xf32>
    %reduce_sum3A_31 = vector.multi_reduction <add>, %mul3A, %reduce_sum3A_30 [0] : vector<256x256xf32> to vector<256xf32>
    %broadcast_in_dim3A_32 = vector.shape_cast %reduce_sum3A_31 : vector<256xf32> to vector<1x256xf32>
    %mul3A_33 = arith.constant 257 : i32
    %mul3A_34 = arith.muli %arg0, %mul3A_33 : i32
    %add3A_35 = arith.constant 1 : i32
    %add3A_36 = arith.addi %mul3A_34, %add3A_35 : i32
    %convert_element_type3A_37 = arith.sitofp %add3A_36 : i32 to f32
    %add3A_38 = vector.broadcast %convert_element_type3A_37 : f32 to vector<1x256xf32>
    %add3A_39 = arith.addf %broadcast_in_dim3A_32, %add3A_38 : vector<1x256xf32>
    %convert_element_type3A_40 = arith.fptosi %add3A_39 : vector<1x256xf32> to vector<1x256xi32>
    %swap3A = arith.constant 0 : index
    %swap3A_41 = arith.constant 0 : index
    %swap3A_42 = arith.constant 0 : index
    %swap3A_43 = vector.load %arg2[%swap3A, %swap3A_41, %swap3A_42] : memref<1x1x256xi32, #tpu.memory_space<vmem>>, vector<1x1x256xi32>
    %swap3A_44 = vector.shape_cast %swap3A_43 : vector<1x1x256xi32> to vector<1x256xi32>
    %swap3A_45 = vector.shape_cast %convert_element_type3A_40 : vector<1x256xi32> to vector<1x1x256xi32>
    tpu.vector_store %arg2[%swap3A, %swap3A_41, %swap3A_42], %swap3A_45 {strides = array<i32>} : memref<1x1x256xi32, #tpu.memory_space<vmem>>, vector<1x1x256xi32>,
    return
  }
  func.func @transform_0(%arg0: i32) -> (i32, i32, i32) {
    %c0_i32 = arith.constant 0 : i32
    %c0_i32_0 = arith.constant 0 : i32
    %c0_i32_1 = arith.constant 0 : i32
    return %arg0, %c0_i32, %c0_i32_0 : i32, i32, i32
  }
  func.func @transform_1(%arg0: i32) -> (i32, i32, i32) {
    %c0_i32 = arith.constant 0 : i32
    %c0_i32_0 = arith.constant 0 : i32
    %c0_i32_1 = arith.constant 0 : i32
    return %arg0, %c0_i32, %c0_i32_0 : i32, i32, i32
  }
}

module attributes {stable_mosaic.version = 14 : i64} {
  func.func @_graph_kernel(%arg0: i32, %arg1: memref<1x257x256xf32, #tpu.memory_space<vmem>>, %arg2: memref<1x193x192xf32, #tpu.memory_space<vmem>>, %arg3: memref<1x128x128xf32, #tpu.memory_space<vmem>>, %arg4: memref<1x1x128xf32, #tpu.memory_space<vmem>>) attributes {dimension_semantics = [#tpu.dimension_semantics<arbitrary>], iteration_bounds = array<i64: 16>, scalar_prefetch = 0 : i64, scratch_operands = 0 : i64, tpu.core_type = #tpu.core_type<tc>, window_params = [{transform_indices = @transform_0, window_bounds = array<i64: 1, 257, 256>}, {transform_indices = @transform_1, window_bounds = array<i64: 1, 193, 192>}, {transform_indices = @transform_2, window_bounds = array<i64: 1, 128, 128>}, {transform_indices = @transform_3, window_bounds = array<i64: 1, 1, 128>}]} {
    %get3A = arith.constant 0 : index
    %get3A_0 = arith.constant 0 : index
    %get3A_1 = arith.constant 0 : index
    %get3A_2 = vector.load %arg1[%get3A, %get3A_0, %get3A_1] : memref<1x257x256xf32, #tpu.memory_space<vmem>>, vector<1x257x256xf32>
    %get3A_3 = vector.shape_cast %get3A_2 : vector<1x257x256xf32> to vector<257x256xf32>
    %slice3A = vector.extract_strided_slice %get3A_3 {offsets = [0, 0], sizes = [1, 256], strides = [1, 1]} : vector<257x256xf32> to vector<1x256xf32>
    %broadcast_in_dim3A = vector.shape_cast %slice3A : vector<1x256xf32> to vector<1x256xf32>
    %broadcast_in_dim3A_4 = vector.broadcast %broadcast_in_dim3A : vector<1x256xf32> to vector<256x256xf32>
    %transpose3A = tpu.transpose %broadcast_in_dim3A_4, [1, 0] : vector<256x256xf32> -> vector<256x256xf32>
    %iota3A = tpu.iota {dimensions = array<i32: 0>} : vector<256x256xi32>
    %convert_element_type3A = arith.sitofp %iota3A : vector<256x256xi32> to vector<256x256xf32>
    %iota3A_5 = tpu.iota {dimensions = array<i32: 1>} : vector<256x256xi32>
    %convert_element_type3A_6 = arith.sitofp %iota3A_5 : vector<256x256xi32> to vector<256x256xf32>
    %gt3A = arith.cmpf ogt, %transpose3A, %broadcast_in_dim3A_4 : vector<256x256xf32>
    %jit3A = arith.constant 1.000000e+00 : f32
    %jit3A_7 = arith.constant 0.000000e+00 : f32
    %broadcast_in_dim3A_8 = vector.broadcast %jit3A : f32 to vector<256x256xf32>
    %broadcast_in_dim3A_9 = vector.broadcast %jit3A_7 : f32 to vector<256x256xf32>
    %select_n3A = arith.select %gt3A, %broadcast_in_dim3A_8, %broadcast_in_dim3A_9 : vector<256x256xi1>, vector<256x256xf32>
    %eq3A = arith.cmpf oeq, %transpose3A, %broadcast_in_dim3A_4 : vector<256x256xf32>
    %lt3A = arith.cmpf olt, %convert_element_type3A, %convert_element_type3A_6 : vector<256x256xf32>
    %and3A = arith.andi %eq3A, %lt3A : vector<256x256xi1>
    %jit3A_10 = arith.constant 1.000000e+00 : f32
    %jit3A_11 = arith.constant 0.000000e+00 : f32
    %broadcast_in_dim3A_12 = vector.broadcast %jit3A_10 : f32 to vector<256x256xf32>
    %broadcast_in_dim3A_13 = vector.broadcast %jit3A_11 : f32 to vector<256x256xf32>
    %select_n3A_14 = arith.select %and3A, %broadcast_in_dim3A_12, %broadcast_in_dim3A_13 : vector<256x256xi1>, vector<256x256xf32>
    %add3A = arith.addf %select_n3A, %select_n3A_14 : vector<256x256xf32>
    %reduce_sum3A = arith.constant dense<0.000000e+00> : vector<256xf32>
    %reduce_sum3A_15 = vector.multi_reduction <add>, %add3A, %reduce_sum3A [0] : vector<256x256xf32> to vector<256xf32>
    %broadcast_in_dim3A_16 = vector.shape_cast %reduce_sum3A_15 : vector<256xf32> to vector<1x256xf32>
    %iota3A_17 = tpu.iota {dimensions = array<i32: 0>} : vector<256x256xi32>
    %convert_element_type3A_18 = arith.sitofp %iota3A_17 : vector<256x256xi32> to vector<256x256xf32>
    %iota3A_19 = tpu.iota {dimensions = array<i32: 1>} : vector<256x256xi32>
    %convert_element_type3A_20 = arith.sitofp %iota3A_19 : vector<256x256xi32> to vector<256x256xf32>
    %eq3A_21 = vector.broadcast %broadcast_in_dim3A_16 : vector<1x256xf32> to vector<256x256xf32>
    %eq3A_22 = arith.cmpf oeq, %convert_element_type3A_18, %eq3A_21 : vector<256x256xf32>
    %jit3A_23 = arith.constant 1.000000e+00 : f32
    %jit3A_24 = arith.constant 0.000000e+00 : f32
    %broadcast_in_dim3A_25 = vector.broadcast %jit3A_23 : f32 to vector<256x256xf32>
    %broadcast_in_dim3A_26 = vector.broadcast %jit3A_24 : f32 to vector<256x256xf32>
    %select_n3A_27 = arith.select %eq3A_22, %broadcast_in_dim3A_25, %broadcast_in_dim3A_26 : vector<256x256xi1>, vector<256x256xf32>
    %mul3A = arith.mulf %select_n3A_27, %convert_element_type3A_20 : vector<256x256xf32>
    %reduce_sum3A_28 = arith.constant dense<0.000000e+00> : vector<256xf32>
    %reduce_sum3A_29 = vector.multi_reduction <add>, %mul3A, %reduce_sum3A_28 [1] : vector<256x256xf32> to vector<256xf32>
    %broadcast_in_dim3A_30 = vector.shape_cast %reduce_sum3A_29 : vector<256xf32> to vector<256x1xf32>
    %slice3A_31 = vector.extract_strided_slice %select_n3A_27 {offsets = [0, 0], sizes = [128, 256], strides = [1, 1]} : vector<256x256xf32> to vector<128x256xf32>
    %slice3A_32 = vector.extract_strided_slice %select_n3A_27 {offsets = [128, 0], sizes = [128, 256], strides = [1, 1]} : vector<256x256xf32> to vector<128x256xf32>
    %slice3A_33 = vector.extract_strided_slice %get3A_3 {offsets = [1, 0], sizes = [256, 256], strides = [1, 1]} : vector<257x256xf32> to vector<256x256xf32>
    %dot_general3A = arith.constant dense<0.000000e+00> : vector<128x256xf32>
    %dot_general3A_34 = tpu.matmul %slice3A_32, %slice3A_33, %dot_general3A {dimension_numbers = #tpu.dot_dimension_numbers<[1], [0], [0], [1], [0, 0, 1, 1], [], []>, precision = #tpu.contract_precision<fp32>, transpose_lhs_hint = false} : vector<128x256xf32>, vector<256x256xf32>, vector<128x256xf32> -> vector<128x256xf32>
    %transpose3A_35 = tpu.transpose %slice3A_32, [1, 0] : vector<128x256xf32> -> vector<256x128xf32>
    %dot_general3A_36 = arith.constant dense<0.000000e+00> : vector<128x128xf32>
    %dot_general3A_37 = tpu.matmul %dot_general3A_34, %transpose3A_35, %dot_general3A_36 {dimension_numbers = #tpu.dot_dimension_numbers<[1], [0], [0], [1], [0, 0, 1, 1], [], []>, precision = #tpu.contract_precision<fp32>, transpose_lhs_hint = false} : vector<128x256xf32>, vector<256x128xf32>, vector<128x128xf32> -> vector<128x128xf32>
    %iota3A_38 = tpu.iota {dimensions = array<i32: 0>} : vector<128x128xi32>
    %convert_element_type3A_39 = arith.sitofp %iota3A_38 : vector<128x128xi32> to vector<128x128xf32>
    %iota3A_40 = tpu.iota {dimensions = array<i32: 1>} : vector<128x128xi32>
    %convert_element_type3A_41 = arith.sitofp %iota3A_40 : vector<128x128xi32> to vector<128x128xf32>
    %eq3A_42 = arith.cmpf oeq, %convert_element_type3A_39, %convert_element_type3A_41 : vector<128x128xf32>
    %jit3A_43 = arith.constant 0.000000e+00 : f32
    %jit3A_44 = arith.constant 1.000000e+00 : f32
    %broadcast_in_dim3A_45 = vector.broadcast %jit3A_43 : f32 to vector<128x128xf32>
    %broadcast_in_dim3A_46 = vector.broadcast %jit3A_44 : f32 to vector<128x128xf32>
    %select_n3A_47 = arith.select %eq3A_42, %broadcast_in_dim3A_45, %broadcast_in_dim3A_46 : vector<128x128xi1>, vector<128x128xf32>
    %mul3A_48 = arith.mulf %dot_general3A_37, %select_n3A_47 : vector<128x128xf32>
    %reduce_max3A = arith.constant dense<0xFF800000> : vector<128xf32>
    %reduce_max3A_49 = vector.multi_reduction <maximumf>, %mul3A_48, %reduce_max3A [1] : vector<128x128xf32> to vector<128xf32>
    %broadcast_in_dim3A_50 = vector.shape_cast %reduce_max3A_49 : vector<128xf32> to vector<128x1xf32>
    %eq3A_51 = vector.broadcast %broadcast_in_dim3A_50 : vector<128x1xf32> to vector<128x128xf32>
    %eq3A_52 = arith.cmpf oeq, %mul3A_48, %eq3A_51 : vector<128x128xf32>
    %jit3A_53 = arith.constant 1.000000e+09 : f32
    %broadcast_in_dim3A_54 = vector.broadcast %jit3A_53 : f32 to vector<128x128xf32>
    %select_n3A_55 = arith.select %eq3A_52, %convert_element_type3A_41, %broadcast_in_dim3A_54 : vector<128x128xi1>, vector<128x128xf32>
    %reduce_min3A = arith.constant dense<0x7F800000> : vector<128xf32>
    %reduce_min3A_56 = vector.multi_reduction <minimumf>, %select_n3A_55, %reduce_min3A [1] : vector<128x128xf32> to vector<128xf32>
    %broadcast_in_dim3A_57 = vector.shape_cast %reduce_min3A_56 : vector<128xf32> to vector<128x1xf32>
    %eq3A_58 = vector.broadcast %broadcast_in_dim3A_57 : vector<128x1xf32> to vector<128x128xf32>
    %eq3A_59 = arith.cmpf oeq, %convert_element_type3A_41, %eq3A_58 : vector<128x128xf32>
    %jit3A_60 = arith.constant -3.000000e+38 : f32
    %broadcast_in_dim3A_61 = vector.broadcast %jit3A_60 : f32 to vector<128x128xf32>
    %select_n3A_62 = arith.select %eq3A_59, %broadcast_in_dim3A_61, %mul3A_48 : vector<128x128xi1>, vector<128x128xf32>
    %reduce_max3A_63 = arith.constant dense<0xFF800000> : vector<128xf32>
    %reduce_max3A_64 = vector.multi_reduction <maximumf>, %select_n3A_62, %reduce_max3A_63 [1] : vector<128x128xf32> to vector<128xf32>
    %broadcast_in_dim3A_65 = vector.shape_cast %reduce_max3A_64 : vector<128xf32> to vector<128x1xf32>
    %eq3A_66 = vector.broadcast %broadcast_in_dim3A_65 : vector<128x1xf32> to vector<128x128xf32>
    %eq3A_67 = arith.cmpf oeq, %select_n3A_62, %eq3A_66 : vector<128x128xf32>
    %jit3A_68 = arith.constant 1.000000e+09 : f32
    %broadcast_in_dim3A_69 = vector.broadcast %jit3A_68 : f32 to vector<128x128xf32>
    %select_n3A_70 = arith.select %eq3A_67, %convert_element_type3A_41, %broadcast_in_dim3A_69 : vector<128x128xi1>, vector<128x128xf32>
    %reduce_min3A_71 = arith.constant dense<0x7F800000> : vector<128xf32>
    %reduce_min3A_72 = vector.multi_reduction <minimumf>, %select_n3A_70, %reduce_min3A_71 [1] : vector<128x128xf32> to vector<128xf32>
    %broadcast_in_dim3A_73 = vector.shape_cast %reduce_min3A_72 : vector<128xf32> to vector<128x1xf32>
    %eq3A_74 = vector.broadcast %broadcast_in_dim3A_73 : vector<128x1xf32> to vector<128x128xf32>
    %eq3A_75 = arith.cmpf oeq, %convert_element_type3A_41, %eq3A_74 : vector<128x128xf32>
    %or3A = arith.ori %eq3A_59, %eq3A_75 : vector<128x128xi1>
    %jit3A_76 = arith.constant 1.000000e+00 : f32
    %jit3A_77 = arith.constant 0.000000e+00 : f32
    %broadcast_in_dim3A_78 = vector.broadcast %jit3A_76 : f32 to vector<128x128xf32>
    %broadcast_in_dim3A_79 = vector.broadcast %jit3A_77 : f32 to vector<128x128xf32>
    %select_n3A_80 = arith.select %or3A, %broadcast_in_dim3A_78, %broadcast_in_dim3A_79 : vector<128x128xi1>, vector<128x128xf32>
    %transpose3A_81 = tpu.transpose %select_n3A_80, [1, 0] : vector<128x128xf32> -> vector<128x128xf32>
    %add3A_82 = arith.addf %select_n3A_80, %transpose3A_81 : vector<128x128xf32>
    %gt3A_83 = arith.constant 0.000000e+00 : f32
    %gt3A_84 = vector.broadcast %gt3A_83 : f32 to vector<128x128xf32>
    %gt3A_85 = arith.cmpf ogt, %add3A_82, %gt3A_84 : vector<128x128xf32>
    %jit3A_86 = arith.constant 1.000000e+00 : f32
    %jit3A_87 = arith.constant 0.000000e+00 : f32
    %broadcast_in_dim3A_88 = vector.broadcast %jit3A_86 : f32 to vector<128x128xf32>
    %broadcast_in_dim3A_89 = vector.broadcast %jit3A_87 : f32 to vector<128x128xf32>
    %select_n3A_90 = arith.select %gt3A_85, %broadcast_in_dim3A_88, %broadcast_in_dim3A_89 : vector<128x128xi1>, vector<128x128xf32>
    %mul3A_91 = arith.mulf %mul3A_48, %select_n3A_90 : vector<128x128xf32>
    %ne3A = arith.constant 0.000000e+00 : f32
    %ne3A_92 = vector.broadcast %ne3A : f32 to vector<128x128xf32>
    %ne3A_93 = arith.cmpf one, %mul3A_91, %ne3A_92 : vector<128x128xf32>
    %jit3A_94 = arith.constant 1.000000e+00 : f32
    %jit3A_95 = arith.constant 0.000000e+00 : f32
    %broadcast_in_dim3A_96 = vector.broadcast %jit3A_94 : f32 to vector<128x128xf32>
    %broadcast_in_dim3A_97 = vector.broadcast %jit3A_95 : f32 to vector<128x128xf32>
    %select_n3A_98 = arith.select %ne3A_93, %broadcast_in_dim3A_96, %broadcast_in_dim3A_97 : vector<128x128xi1>, vector<128x128xf32>
    %reduce_sum3A_99 = arith.constant dense<0.000000e+00> : vector<128xf32>
    %reduce_sum3A_100 = vector.multi_reduction <add>, %select_n3A_98, %reduce_sum3A_99 [0] : vector<128x128xf32> to vector<128xf32>
    %broadcast_in_dim3A_101 = vector.shape_cast %reduce_sum3A_100 : vector<128xf32> to vector<1x128xf32>
    %mul3A_102 = arith.mulf %mul3A_91, %select_n3A_98 : vector<128x128xf32>
    %reduce_sum3A_103 = arith.constant dense<0.000000e+00> : vector<128xf32>
    %reduce_sum3A_104 = vector.multi_reduction <add>, %mul3A_102, %reduce_sum3A_103 [0] : vector<128x128xf32> to vector<128xf32>
    %broadcast_in_dim3A_105 = vector.shape_cast %reduce_sum3A_104 : vector<128xf32> to vector<1x128xf32>
    %gt3A_106 = arith.constant 0.000000e+00 : f32
    %gt3A_107 = vector.broadcast %gt3A_106 : f32 to vector<1x128xf32>
    %gt3A_108 = arith.cmpf ogt, %broadcast_in_dim3A_101, %gt3A_107 : vector<1x128xf32>
    %div3A = arith.divf %broadcast_in_dim3A_105, %broadcast_in_dim3A_101 : vector<1x128xf32>
    %jit3A_109 = arith.constant 0.000000e+00 : f32
    %broadcast_in_dim3A_110 = vector.broadcast %jit3A_109 : f32 to vector<1x128xf32>
    %select_n3A_111 = arith.select %gt3A_108, %div3A, %broadcast_in_dim3A_110 : vector<1x128xi1>, vector<1x128xf32>
    %broadcast_in_dim3A_112 = vector.shape_cast %select_n3A_111 : vector<1x128xf32> to vector<1x128xf32>
    %broadcast_in_dim3A_113 = vector.broadcast %broadcast_in_dim3A_112 : vector<1x128xf32> to vector<128x128xf32>
    %broadcast_in_dim3A_114 = vector.shape_cast %broadcast_in_dim3A_101 : vector<1x128xf32> to vector<1x128xf32>
    %broadcast_in_dim3A_115 = vector.broadcast %broadcast_in_dim3A_114 : vector<1x128xf32> to vector<128x128xf32>
    %gt3A_116 = arith.constant 0.000000e+00 : f32
    %gt3A_117 = vector.broadcast %gt3A_116 : f32 to vector<128x128xf32>
    %gt3A_118 = arith.cmpf ogt, %broadcast_in_dim3A_115, %gt3A_117 : vector<128x128xf32>
    %transpose3A_119 = tpu.transpose %broadcast_in_dim3A_115, [1, 0] : vector<128x128xf32> -> vector<128x128xf32>
    %gt3A_120 = arith.constant 0.000000e+00 : f32
    %gt3A_121 = vector.broadcast %gt3A_120 : f32 to vector<128x128xf32>
    %gt3A_122 = arith.cmpf ogt, %transpose3A_119, %gt3A_121 : vector<128x128xf32>
    %and3A_123 = arith.andi %gt3A_118, %gt3A_122 : vector<128x128xi1>
    %jit3A_124 = arith.constant 1.000000e+00 : f32
    %jit3A_125 = arith.constant 0.000000e+00 : f32
    %broadcast_in_dim3A_126 = vector.broadcast %jit3A_124 : f32 to vector<128x128xf32>
    %broadcast_in_dim3A_127 = vector.broadcast %jit3A_125 : f32 to vector<128x128xf32>
    %select_n3A_128 = arith.select %and3A_123, %broadcast_in_dim3A_126, %broadcast_in_dim3A_127 : vector<128x128xi1>, vector<128x128xf32>
    %mul3A_129 = arith.mulf %select_n3A_98, %select_n3A_128 : vector<128x128xf32>
    %transpose3A_130 = tpu.transpose %broadcast_in_dim3A_113, [1, 0] : vector<128x128xf32> -> vector<128x128xf32>
    %gt3A_131 = arith.cmpf ogt, %broadcast_in_dim3A_113, %transpose3A_130 : vector<128x128xf32>
    %jit3A_132 = arith.constant 1.000000e+00 : f32
    %jit3A_133 = arith.constant 0.000000e+00 : f32
    %broadcast_in_dim3A_134 = vector.broadcast %jit3A_132 : f32 to vector<128x128xf32>
    %broadcast_in_dim3A_135 = vector.broadcast %jit3A_133 : f32 to vector<128x128xf32>
    %select_n3A_136 = arith.select %gt3A_131, %broadcast_in_dim3A_134, %broadcast_in_dim3A_135 : vector<128x128xi1>, vector<128x128xf32>
    %mul3A_137 = arith.mulf %mul3A_129, %select_n3A_136 : vector<128x128xf32>
    %reduce_sum3A_138 = arith.constant dense<0.000000e+00> : vector<128xf32>
    %reduce_sum3A_139 = vector.multi_reduction <add>, %mul3A_137, %reduce_sum3A_138 [0] : vector<128x128xf32> to vector<128xf32>
    %broadcast_in_dim3A_140 = vector.shape_cast %reduce_sum3A_139 : vector<128xf32> to vector<1x128xf32>
    %mul3A_141 = arith.mulf %mul3A_91, %mul3A_137 : vector<128x128xf32>
    %reduce_sum3A_142 = arith.constant dense<0.000000e+00> : vector<128xf32>
    %reduce_sum3A_143 = vector.multi_reduction <add>, %mul3A_141, %reduce_sum3A_142 [0] : vector<128x128xf32> to vector<128xf32>
    %broadcast_in_dim3A_144 = vector.shape_cast %reduce_sum3A_143 : vector<128xf32> to vector<1x128xf32>
    %gt3A_145 = arith.constant 0.000000e+00 : f32
    %gt3A_146 = vector.broadcast %gt3A_145 : f32 to vector<1x128xf32>
    %gt3A_147 = arith.cmpf ogt, %broadcast_in_dim3A_140, %gt3A_146 : vector<1x128xf32>
    %div3A_148 = arith.divf %broadcast_in_dim3A_144, %broadcast_in_dim3A_140 : vector<1x128xf32>
    %jit3A_149 = arith.constant 0.000000e+00 : f32
    %broadcast_in_dim3A_150 = vector.broadcast %jit3A_149 : f32 to vector<1x128xf32>
    %select_n3A_151 = arith.select %gt3A_147, %div3A_148, %broadcast_in_dim3A_150 : vector<1x128xi1>, vector<1x128xf32>
    %broadcast_in_dim3A_152 = vector.shape_cast %select_n3A_151 : vector<1x128xf32> to vector<1x128xf32>
    %broadcast_in_dim3A_153 = vector.broadcast %broadcast_in_dim3A_152 : vector<1x128xf32> to vector<128x128xf32>
    %transpose3A_154 = tpu.transpose %broadcast_in_dim3A_153, [1, 0] : vector<128x128xf32> -> vector<128x128xf32>
    %gt3A_155 = arith.cmpf ogt, %broadcast_in_dim3A_153, %transpose3A_154 : vector<128x128xf32>
    %jit3A_156 = arith.constant 1.000000e+00 : f32
    %jit3A_157 = arith.constant 0.000000e+00 : f32
    %broadcast_in_dim3A_158 = vector.broadcast %jit3A_156 : f32 to vector<128x128xf32>
    %broadcast_in_dim3A_159 = vector.broadcast %jit3A_157 : f32 to vector<128x128xf32>
    %select_n3A_160 = arith.select %gt3A_155, %broadcast_in_dim3A_158, %broadcast_in_dim3A_159 : vector<128x128xi1>, vector<128x128xf32>
    %mul3A_161 = arith.mulf %mul3A_137, %select_n3A_160 : vector<128x128xf32>
    %while3A:2 = scf.while (%while3A_234 = %mul3A_137, %while3A_235 = %mul3A_161) : (vector<128x128xf32>, vector<128x128xf32>) -> (vector<128x128xf32>, vector<128x128xf32>) {
      %reduce_sum3A_236 = vector.shape_cast %while3A_235 : vector<128x128xf32> to vector<1x128x128xf32>
      %reduce_sum3A_237 = arith.constant dense<0.000000e+00> : vector<1xf32>
      %reduce_sum3A_238 = vector.multi_reduction <add>, %reduce_sum3A_236, %reduce_sum3A_237 [1, 2] : vector<1x128x128xf32> to vector<1xf32>
      %reduce_sum3A_239 = vector.shape_cast %reduce_sum3A_238 : vector<1xf32> to vector<1x1x1xf32>
      %reduce_sum3A_240 = vector.extract %reduce_sum3A_239[0, 0, 0] : f32 from vector<1x1x1xf32>
      %reduce_sum3A_241 = vector.shape_cast %while3A_234 : vector<128x128xf32> to vector<1x128x128xf32>
      %reduce_sum3A_242 = arith.constant dense<0.000000e+00> : vector<1xf32>
      %reduce_sum3A_243 = vector.multi_reduction <add>, %reduce_sum3A_241, %reduce_sum3A_242 [1, 2] : vector<1x128x128xf32> to vector<1xf32>
      %reduce_sum3A_244 = vector.shape_cast %reduce_sum3A_243 : vector<1xf32> to vector<1x1x1xf32>
      %reduce_sum3A_245 = vector.extract %reduce_sum3A_244[0, 0, 0] : f32 from vector<1x1x1xf32>
      %ne3A_246 = arith.cmpf one, %reduce_sum3A_240, %reduce_sum3A_245 : f32
      scf.condition(%ne3A_246) %while3A_234, %while3A_235 : vector<128x128xf32>, vector<128x128xf32>
    } do {
    ^bb0(%while3A_234: vector<128x128xf32>, %while3A_235: vector<128x128xf32>):
      %reduce_sum3A_236 = arith.constant dense<0.000000e+00> : vector<128xf32>
      %reduce_sum3A_237 = vector.multi_reduction <add>, %while3A_235, %reduce_sum3A_236 [0] : vector<128x128xf32> to vector<128xf32>
      %broadcast_in_dim3A_238 = vector.shape_cast %reduce_sum3A_237 : vector<128xf32> to vector<1x128xf32>
      %mul3A_239 = arith.mulf %mul3A_91, %while3A_235 : vector<128x128xf32>
      %reduce_sum3A_240 = arith.constant dense<0.000000e+00> : vector<128xf32>
      %reduce_sum3A_241 = vector.multi_reduction <add>, %mul3A_239, %reduce_sum3A_240 [0] : vector<128x128xf32> to vector<128xf32>
      %broadcast_in_dim3A_242 = vector.shape_cast %reduce_sum3A_241 : vector<128xf32> to vector<1x128xf32>
      %gt3A_243 = arith.constant 0.000000e+00 : f32
      %gt3A_244 = vector.broadcast %gt3A_243 : f32 to vector<1x128xf32>
      %gt3A_245 = arith.cmpf ogt, %broadcast_in_dim3A_238, %gt3A_244 : vector<1x128xf32>
      %div3A_246 = arith.divf %broadcast_in_dim3A_242, %broadcast_in_dim3A_238 : vector<1x128xf32>
      %jit3A_247 = arith.constant 0.000000e+00 : f32
      %broadcast_in_dim3A_248 = vector.broadcast %jit3A_247 : f32 to vector<1x128xf32>
      %select_n3A_249 = arith.select %gt3A_245, %div3A_246, %broadcast_in_dim3A_248 : vector<1x128xi1>, vector<1x128xf32>
      %broadcast_in_dim3A_250 = vector.shape_cast %select_n3A_249 : vector<1x128xf32> to vector<1x128xf32>
      %broadcast_in_dim3A_251 = vector.broadcast %broadcast_in_dim3A_250 : vector<1x128xf32> to vector<128x128xf32>
      %transpose3A_252 = tpu.transpose %broadcast_in_dim3A_251, [1, 0] : vector<128x128xf32> -> vector<128x128xf32>
      %gt3A_253 = arith.cmpf ogt, %broadcast_in_dim3A_251, %transpose3A_252 : vector<128x128xf32>
      %jit3A_254 = arith.constant 1.000000e+00 : f32
      %jit3A_255 = arith.constant 0.000000e+00 : f32
      %broadcast_in_dim3A_256 = vector.broadcast %jit3A_254 : f32 to vector<128x128xf32>
      %broadcast_in_dim3A_257 = vector.broadcast %jit3A_255 : f32 to vector<128x128xf32>
      %select_n3A_258 = arith.select %gt3A_253, %broadcast_in_dim3A_256, %broadcast_in_dim3A_257 : vector<128x128xi1>, vector<128x128xf32>
      %mul3A_259 = arith.mulf %while3A_235, %select_n3A_258 : vector<128x128xf32>
      scf.yield %while3A_235, %mul3A_259 : vector<128x128xf32>, vector<128x128xf32>
    }
    %swap3A = arith.constant 0 : index
    %swap3A_162 = arith.constant 0 : index
    %swap3A_163 = arith.constant 0 : index
    %swap3A_164 = vector.load %arg3[%swap3A, %swap3A_162, %swap3A_163] : memref<1x128x128xf32, #tpu.memory_space<vmem>>, vector<1x128x128xf32>
    %swap3A_165 = vector.shape_cast %swap3A_164 : vector<1x128x128xf32> to vector<128x128xf32>
    %swap3A_166 = vector.shape_cast %while3A#0 : vector<128x128xf32> to vector<1x128x128xf32>
    tpu.vector_store %arg3[%swap3A, %swap3A_162, %swap3A_163], %swap3A_166 {strides = array<i32>} : memref<1x128x128xf32, #tpu.memory_space<vmem>>, vector<1x128x128xf32>,
    %reduce_sum3A_167 = arith.constant dense<0.000000e+00> : vector<128xf32>
    %reduce_sum3A_168 = vector.multi_reduction <add>, %while3A#0, %reduce_sum3A_167 [0] : vector<128x128xf32> to vector<128xf32>
    %broadcast_in_dim3A_169 = vector.shape_cast %reduce_sum3A_168 : vector<128xf32> to vector<1x128xf32>
    %broadcast_in_dim3A_170 = vector.shape_cast %broadcast_in_dim3A_169 : vector<1x128xf32> to vector<1x128xf32>
    %broadcast_in_dim3A_171 = vector.broadcast %broadcast_in_dim3A_170 : vector<1x128xf32> to vector<128x128xf32>
    %transpose3A_172 = tpu.transpose %broadcast_in_dim3A_171, [1, 0] : vector<128x128xf32> -> vector<128x128xf32>
    %gt3A_173 = arith.cmpf ogt, %transpose3A_172, %broadcast_in_dim3A_171 : vector<128x128xf32>
    %jit3A_174 = arith.constant 1.000000e+00 : f32
    %jit3A_175 = arith.constant 0.000000e+00 : f32
    %broadcast_in_dim3A_176 = vector.broadcast %jit3A_174 : f32 to vector<128x128xf32>
    %broadcast_in_dim3A_177 = vector.broadcast %jit3A_175 : f32 to vector<128x128xf32>
    %select_n3A_178 = arith.select %gt3A_173, %broadcast_in_dim3A_176, %broadcast_in_dim3A_177 : vector<128x128xi1>, vector<128x128xf32>
    %transpose3A_179 = tpu.transpose %broadcast_in_dim3A_171, [1, 0] : vector<128x128xf32> -> vector<128x128xf32>
    %eq3A_180 = arith.cmpf oeq, %transpose3A_179, %broadcast_in_dim3A_171 : vector<128x128xf32>
    %lt3A_181 = arith.cmpf olt, %convert_element_type3A_39, %convert_element_type3A_41 : vector<128x128xf32>
    %and3A_182 = arith.andi %eq3A_180, %lt3A_181 : vector<128x128xi1>
    %jit3A_183 = arith.constant 1.000000e+00 : f32
    %jit3A_184 = arith.constant 0.000000e+00 : f32
    %broadcast_in_dim3A_185 = vector.broadcast %jit3A_183 : f32 to vector<128x128xf32>
    %broadcast_in_dim3A_186 = vector.broadcast %jit3A_184 : f32 to vector<128x128xf32>
    %select_n3A_187 = arith.select %and3A_182, %broadcast_in_dim3A_185, %broadcast_in_dim3A_186 : vector<128x128xi1>, vector<128x128xf32>
    %add3A_188 = arith.addf %select_n3A_178, %select_n3A_187 : vector<128x128xf32>
    %reduce_sum3A_189 = arith.constant dense<0.000000e+00> : vector<128xf32>
    %reduce_sum3A_190 = vector.multi_reduction <add>, %add3A_188, %reduce_sum3A_189 [0] : vector<128x128xf32> to vector<128xf32>
    %broadcast_in_dim3A_191 = vector.shape_cast %reduce_sum3A_190 : vector<128xf32> to vector<1x128xf32>
    %swap3A_192 = arith.constant 0 : index
    %swap3A_193 = arith.constant 0 : index
    %swap3A_194 = arith.constant 0 : index
    %swap3A_195 = vector.load %arg4[%swap3A_192, %swap3A_193, %swap3A_194] : memref<1x1x128xf32, #tpu.memory_space<vmem>>, vector<1x1x128xf32>
    %swap3A_196 = vector.shape_cast %swap3A_195 : vector<1x1x128xf32> to vector<1x128xf32>
    %swap3A_197 = vector.shape_cast %broadcast_in_dim3A_191 : vector<1x128xf32> to vector<1x1x128xf32>
    tpu.vector_store %arg4[%swap3A_192, %swap3A_193, %swap3A_194], %swap3A_197 {strides = array<i32>} : memref<1x1x128xf32, #tpu.memory_space<vmem>>, vector<1x1x128xf32>,
    %iota3A_198 = tpu.iota {dimensions = array<i32: 0>} : vector<64x128xi32>
    %convert_element_type3A_199 = arith.sitofp %iota3A_198 : vector<64x128xi32> to vector<64x128xf32>
    %eq3A_200 = vector.broadcast %broadcast_in_dim3A_191 : vector<1x128xf32> to vector<64x128xf32>
    %eq3A_201 = arith.cmpf oeq, %convert_element_type3A_199, %eq3A_200 : vector<64x128xf32>
    %jit3A_202 = arith.constant 1.000000e+00 : f32
    %jit3A_203 = arith.constant 0.000000e+00 : f32
    %broadcast_in_dim3A_204 = vector.broadcast %jit3A_202 : f32 to vector<64x128xf32>
    %broadcast_in_dim3A_205 = vector.broadcast %jit3A_203 : f32 to vector<64x128xf32>
    %select_n3A_206 = arith.select %eq3A_201, %broadcast_in_dim3A_204, %broadcast_in_dim3A_205 : vector<64x128xi1>, vector<64x128xf32>
    %slice3A_207 = vector.extract_strided_slice %broadcast_in_dim3A_30 {offsets = [128, 0], sizes = [128, 1], strides = [1, 1]} : vector<256x1xf32> to vector<128x1xf32>
    %dot_general3A_208 = arith.constant dense<0.000000e+00> : vector<64x1xf32>
    %dot_general3A_209 = tpu.matmul %select_n3A_206, %slice3A_207, %dot_general3A_208 {dimension_numbers = #tpu.dot_dimension_numbers<[1], [0], [0], [1], [0, 0, 1, 1], [], []>, precision = #tpu.contract_precision<fp32>, transpose_lhs_hint = false} : vector<64x128xf32>, vector<128x1xf32>, vector<64x1xf32> -> vector<64x1xf32>
    %dot_general3A_210 = arith.constant dense<0.000000e+00> : vector<128x256xf32>
    %dot_general3A_211 = tpu.matmul %slice3A_31, %slice3A_33, %dot_general3A_210 {dimension_numbers = #tpu.dot_dimension_numbers<[1], [0], [0], [1], [0, 0, 1, 1], [], []>, precision = #tpu.contract_precision<fp32>, transpose_lhs_hint = false} : vector<128x256xf32>, vector<256x256xf32>, vector<128x256xf32> -> vector<128x256xf32>
    %dot_general3A_212 = arith.constant dense<0.000000e+00> : vector<64x256xf32>
    %dot_general3A_213 = tpu.matmul %select_n3A_206, %dot_general3A_34, %dot_general3A_212 {dimension_numbers = #tpu.dot_dimension_numbers<[1], [0], [0], [1], [0, 0, 1, 1], [], []>, precision = #tpu.contract_precision<fp32>, transpose_lhs_hint = false} : vector<64x128xf32>, vector<128x256xf32>, vector<64x256xf32> -> vector<64x256xf32>
    %concatenate3A = tpu.concatenate %slice3A, %dot_general3A_211, %dot_general3A_213 in 0 : vector<1x256xf32>, vector<128x256xf32>, vector<64x256xf32> -> vector<193x256xf32>
    %slice3A_214 = vector.extract_strided_slice %broadcast_in_dim3A_30 {offsets = [0, 0], sizes = [128, 1], strides = [1, 1]} : vector<256x1xf32> to vector<128x1xf32>
    %concatenate3A_215 = tpu.concatenate %slice3A_214, %dot_general3A_209 in 0 : vector<128x1xf32>, vector<64x1xf32> -> vector<192x1xf32>
    %iota3A_216 = tpu.iota {dimensions = array<i32: 1>} : vector<192x256xi32>
    %convert_element_type3A_217 = arith.sitofp %iota3A_216 : vector<192x256xi32> to vector<192x256xf32>
    %eq3A_218 = vector.broadcast %concatenate3A_215 : vector<192x1xf32> to vector<192x256xf32>
    %eq3A_219 = arith.cmpf oeq, %convert_element_type3A_217, %eq3A_218 : vector<192x256xf32>
    %jit3A_220 = arith.constant 1.000000e+00 : f32
    %jit3A_221 = arith.constant 0.000000e+00 : f32
    %broadcast_in_dim3A_222 = vector.broadcast %jit3A_220 : f32 to vector<192x256xf32>
    %broadcast_in_dim3A_223 = vector.broadcast %jit3A_221 : f32 to vector<192x256xf32>
    %select_n3A_224 = arith.select %eq3A_219, %broadcast_in_dim3A_222, %broadcast_in_dim3A_223 : vector<192x256xi1>, vector<192x256xf32>
    %transpose3A_225 = tpu.transpose %select_n3A_224, [1, 0] : vector<192x256xf32> -> vector<256x192xf32>
    %dot_general3A_226 = arith.constant dense<0.000000e+00> : vector<193x192xf32>
    %dot_general3A_227 = tpu.matmul %concatenate3A, %transpose3A_225, %dot_general3A_226 {dimension_numbers = #tpu.dot_dimension_numbers<[1], [0], [0], [1], [0, 0, 1, 1], [], []>, precision = #tpu.contract_precision<fp32>, transpose_lhs_hint = false} : vector<193x256xf32>, vector<256x192xf32>, vector<193x192xf32> -> vector<193x192xf32>
    %swap3A_228 = arith.constant 0 : index
    %swap3A_229 = arith.constant 0 : index
    %swap3A_230 = arith.constant 0 : index
    %swap3A_231 = vector.load %arg2[%swap3A_228, %swap3A_229, %swap3A_230] : memref<1x193x192xf32, #tpu.memory_space<vmem>>, vector<1x193x192xf32>
    %swap3A_232 = vector.shape_cast %swap3A_231 : vector<1x193x192xf32> to vector<193x192xf32>
    %swap3A_233 = vector.shape_cast %dot_general3A_227 : vector<193x192xf32> to vector<1x193x192xf32>
    tpu.vector_store %arg2[%swap3A_228, %swap3A_229, %swap3A_230], %swap3A_233 {strides = array<i32>} : memref<1x193x192xf32, #tpu.memory_space<vmem>>, vector<1x193x192xf32>,
    return
  }
  func.func @transform_0(%arg0: i32) -> (i32, i32, i32) {
    %c0_i32 = arith.constant 0 : i32
    %c0_i32_0 = arith.constant 0 : i32
    %c0_i32_1 = arith.constant 0 : i32
    return %arg0, %c0_i32, %c0_i32_0 : i32, i32, i32
  }
  func.func @transform_1(%arg0: i32) -> (i32, i32, i32) {
    %c0_i32 = arith.constant 0 : i32
    %c0_i32_0 = arith.constant 0 : i32
    %c0_i32_1 = arith.constant 0 : i32
    return %arg0, %c0_i32, %c0_i32_0 : i32, i32, i32
  }
  func.func @transform_2(%arg0: i32) -> (i32, i32, i32) {
    %c0_i32 = arith.constant 0 : i32
    %c0_i32_0 = arith.constant 0 : i32
    %c0_i32_1 = arith.constant 0 : i32
    return %arg0, %c0_i32, %c0_i32_0 : i32, i32, i32
  }
  func.func @transform_3(%arg0: i32) -> (i32, i32, i32) {
    %c0_i32 = arith.constant 0 : i32
    %c0_i32_0 = arith.constant 0 : i32
    %c0_i32_1 = arith.constant 0 : i32
    return %arg0, %c0_i32, %c0_i32_0 : i32, i32, i32
  }
}

module attributes {stable_mosaic.version = 14 : i64} {
  func.func @_emb_kernel(%arg0: i32, %arg1: memref<1x1x192xf32, #tpu.memory_space<vmem>>, %arg2: memref<1x256x192xf32, #tpu.memory_space<vmem>>, %arg3: memref<1x128x128xf32, #tpu.memory_space<vmem>>, %arg4: memref<1x1x128xf32, #tpu.memory_space<vmem>>, %arg5: memref<1x193x192xf32, #tpu.memory_space<vmem>>) attributes {dimension_semantics = [#tpu.dimension_semantics<arbitrary>], iteration_bounds = array<i64: 16>, scalar_prefetch = 0 : i64, scratch_operands = 0 : i64, tpu.core_type = #tpu.core_type<tc>, window_params = [{transform_indices = @transform_0, window_bounds = array<i64: 1, 1, 192>}, {transform_indices = @transform_1, window_bounds = array<i64: 1, 256, 192>}, {transform_indices = @transform_2, window_bounds = array<i64: 1, 128, 128>}, {transform_indices = @transform_3, window_bounds = array<i64: 1, 1, 128>}, {transform_indices = @transform_4, window_bounds = array<i64: 1, 193, 192>}]} {
    %get3A = arith.constant 0 : index
    %get3A_0 = arith.constant 0 : index
    %get3A_1 = arith.constant 0 : index
    %get3A_2 = vector.load %arg2[%get3A, %get3A_0, %get3A_1] : memref<1x256x192xf32, #tpu.memory_space<vmem>>, vector<1x128x192xf32>
    %get3A_3 = vector.shape_cast %get3A_2 : vector<1x128x192xf32> to vector<128x192xf32>
    %get3A_4 = arith.constant 0 : index
    %get3A_5 = arith.constant 128 : index
    %get3A_6 = arith.constant 0 : index
    %get3A_7 = vector.load %arg2[%get3A_4, %get3A_5, %get3A_6] : memref<1x256x192xf32, #tpu.memory_space<vmem>>, vector<1x128x192xf32>
    %get3A_8 = vector.shape_cast %get3A_7 : vector<1x128x192xf32> to vector<128x192xf32>
    %get3A_9 = arith.constant 0 : index
    %get3A_10 = arith.constant 0 : index
    %get3A_11 = arith.constant 0 : index
    %get3A_12 = vector.load %arg3[%get3A_9, %get3A_10, %get3A_11] : memref<1x128x128xf32, #tpu.memory_space<vmem>>, vector<1x128x128xf32>
    %get3A_13 = vector.shape_cast %get3A_12 : vector<1x128x128xf32> to vector<128x128xf32>
    %transpose3A = tpu.transpose %get3A_13, [1, 0] : vector<128x128xf32> -> vector<128x128xf32>
    %dot_general3A = arith.constant dense<0.000000e+00> : vector<128x192xf32>
    %dot_general3A_14 = tpu.matmul %transpose3A, %get3A_8, %dot_general3A {dimension_numbers = #tpu.dot_dimension_numbers<[1], [0], [0], [1], [0, 0, 1, 1], [], []>, precision = #tpu.contract_precision<fp32>, transpose_lhs_hint = false} : vector<128x128xf32>, vector<128x192xf32>, vector<128x192xf32> -> vector<128x192xf32>
    %add3A = arith.addf %dot_general3A_14, %get3A_8 : vector<128x192xf32>
    %iota3A = tpu.iota {dimensions = array<i32: 0>} : vector<64x128xi32>
    %convert_element_type3A = arith.sitofp %iota3A : vector<64x128xi32> to vector<64x128xf32>
    %get3A_15 = arith.constant 0 : index
    %get3A_16 = arith.constant 0 : index
    %get3A_17 = arith.constant 0 : index
    %get3A_18 = vector.load %arg4[%get3A_15, %get3A_16, %get3A_17] : memref<1x1x128xf32, #tpu.memory_space<vmem>>, vector<1x1x128xf32>
    %get3A_19 = vector.shape_cast %get3A_18 : vector<1x1x128xf32> to vector<1x128xf32>
    %eq3A = vector.broadcast %get3A_19 : vector<1x128xf32> to vector<64x128xf32>
    %eq3A_20 = arith.cmpf oeq, %convert_element_type3A, %eq3A : vector<64x128xf32>
    %jit3A = arith.constant 1.000000e+00 : f32
    %jit3A_21 = arith.constant 0.000000e+00 : f32
    %broadcast_in_dim3A = vector.broadcast %jit3A : f32 to vector<64x128xf32>
    %broadcast_in_dim3A_22 = vector.broadcast %jit3A_21 : f32 to vector<64x128xf32>
    %select_n3A = arith.select %eq3A_20, %broadcast_in_dim3A, %broadcast_in_dim3A_22 : vector<64x128xi1>, vector<64x128xf32>
    %dot_general3A_23 = arith.constant dense<0.000000e+00> : vector<64x192xf32>
    %dot_general3A_24 = tpu.matmul %select_n3A, %add3A, %dot_general3A_23 {dimension_numbers = #tpu.dot_dimension_numbers<[1], [0], [0], [1], [0, 0, 1, 1], [], []>, precision = #tpu.contract_precision<fp32>, transpose_lhs_hint = false} : vector<64x128xf32>, vector<128x192xf32>, vector<64x192xf32> -> vector<64x192xf32>
    %get3A_25 = arith.constant 0 : index
    %get3A_26 = arith.constant 0 : index
    %get3A_27 = arith.constant 0 : index
    %get3A_28 = vector.load %arg1[%get3A_25, %get3A_26, %get3A_27] : memref<1x1x192xf32, #tpu.memory_space<vmem>>, vector<1x1x192xf32>
    %get3A_29 = vector.shape_cast %get3A_28 : vector<1x1x192xf32> to vector<1x192xf32>
    %concatenate3A = tpu.concatenate %get3A_29, %get3A_3, %dot_general3A_24 in 0 : vector<1x192xf32>, vector<128x192xf32>, vector<64x192xf32> -> vector<193x192xf32>
    %swap3A = arith.constant 0 : index
    %swap3A_30 = arith.constant 0 : index
    %swap3A_31 = arith.constant 0 : index
    %swap3A_32 = vector.load %arg5[%swap3A, %swap3A_30, %swap3A_31] : memref<1x193x192xf32, #tpu.memory_space<vmem>>, vector<1x193x192xf32>
    %swap3A_33 = vector.shape_cast %swap3A_32 : vector<1x193x192xf32> to vector<193x192xf32>
    %swap3A_34 = vector.shape_cast %concatenate3A : vector<193x192xf32> to vector<1x193x192xf32>
    tpu.vector_store %arg5[%swap3A, %swap3A_30, %swap3A_31], %swap3A_34 {strides = array<i32>} : memref<1x193x192xf32, #tpu.memory_space<vmem>>, vector<1x193x192xf32>,
    return
  }
  func.func @transform_0(%arg0: i32) -> (i32, i32, i32) {
    %c0_i32 = arith.constant 0 : i32
    %c0_i32_0 = arith.constant 0 : i32
    %c0_i32_1 = arith.constant 0 : i32
    return %arg0, %c0_i32, %c0_i32_0 : i32, i32, i32
  }
  func.func @transform_1(%arg0: i32) -> (i32, i32, i32) {
    %c0_i32 = arith.constant 0 : i32
    %c0_i32_0 = arith.constant 0 : i32
    %c0_i32_1 = arith.constant 0 : i32
    return %arg0, %c0_i32, %c0_i32_0 : i32, i32, i32
  }
  func.func @transform_2(%arg0: i32) -> (i32, i32, i32) {
    %c0_i32 = arith.constant 0 : i32
    %c0_i32_0 = arith.constant 0 : i32
    %c0_i32_1 = arith.constant 0 : i32
    return %arg0, %c0_i32, %c0_i32_0 : i32, i32, i32
  }
  func.func @transform_3(%arg0: i32) -> (i32, i32, i32) {
    %c0_i32 = arith.constant 0 : i32
    %c0_i32_0 = arith.constant 0 : i32
    %c0_i32_1 = arith.constant 0 : i32
    return %arg0, %c0_i32, %c0_i32_0 : i32, i32, i32
  }
  func.func @transform_4(%arg0: i32) -> (i32, i32, i32) {
    %c0_i32 = arith.constant 0 : i32
    %c0_i32_0 = arith.constant 0 : i32
    %c0_i32_1 = arith.constant 0 : i32
    return %arg0, %c0_i32, %c0_i32_0 : i32, i32, i32
  }
}

</mosaic_0001>

<sc_bundles>
// kernel: kernel.6.cloned.1.call-start
scs
__scs_entry_jumppad:
0x0: {  	(pc) =	sbr.rel $0x88, $3  }
0x1: {  	(tag) =	ssettag $0x0;
	lr =	simm.s32 $0x1  }
0x2: {  	[smem:$0x3F9F] =	sst lr;
	_ =	strace $0xD0000000  }
0x3: {  	_ = 	snop  }
0x4: {  	_ = 	snop  }
0x5: {  	_ = 	snop  }
0x6: {  	_ = 	snop  }
0x7: {  	_ = 	snop  }
__scs_overlays_trampoline_lowered:
0x8: {  	[smem:$0x3FAE] =	sst s0  }
0x9: {  	[smem:$0x3FAF] =	sst s1  }
0xa: {  	[smem:$0x3FB0] =	sst s2  }
0xb: {  	[smem:$0x3FB1] =	sst s3  }
0xc: {  	[smem:$0x3FB2] =	sst s4  }
0xd: {  	[smem:$0x3FB3] =	sst s5  }
0xe: {  	[smem:$0x3FB4] =	sst s6  }
0xf: {  	[smem:$0x3FB5] =	sst s7  }
0x10: {  	[smem:$0x3FB6] =	sst s8  }
0x11: {  	[smem:$0x3FB7] =	sst s9;
	s0 =	simm.s32 @!p0 $0x0  }
0x12: {  	s1 =	sld [smem:$0x3F9D];
	s0 =	simm.s32 @p0 $0x1  }
0x13: {  	[smem:$0x3FB8] =	sst s0;
	s0 =	simm.s32 @!p1 $0x0  }
0x14: {  	s2 =	sld [smem:$0x3F9C];
	s0 =	simm.s32 @p1 $0x1  }
0x15: {  	[smem:$0x3FB9] =	sst s0;
	s0 =	simm.s32 @!p2 $0x0  }
0x16: {  	s3 =	sld [smem:$0x3FDB];
	s0 =	simm.s32 @p2 $0x1  }
0x17: {  	s4 =	simm.s32 $0x1BF5;
	[smem:$0x3FBB] =	sst s0  }
0x18: {  	s0 =	sld [smem:$0x3F9E];
	_ =	swait.ge [sflag:s4], $0x0  }
0x19: {  	s7 =	sld [smem:$0x3F9F]  }
0x1a: {  	s8 =	sadd.s32 $0xFFFFE003, lr  }
0x1b: {  	s9 =	sadd.s32 $0xFFFFFEF7, lr;
	s5 =	simm.s32 $0xFFFFFFFF;
	p2 =	slt.u32 s8, $0xFFFFF086  }
0x1c: {  	p1 =	slt.u32 s9, $0xF7A;
	s5 =	simm.s32 @!p2 $0x0  }
0x1d: {  	s5 =	simm.s32 @p1 $0x1;
	p0 =	seq.s32 s7, s2  }
0x1e: {  	s7 =	smul.u32 @!p0 $0xF7A, s2;
	p2 =	seq.s32 @!p0 s5, $0x0  }
0x1f: {  	s9 =	smul.u32 $0xF7A, s1;
	s8 =	simm.s32 @!p0 $0x1BF5;
	p2 =	por !p2, p0  }
0x20: {  	[sflag:s8] =	ssyncset.s32 @!p0 $0xFFFFF086;
	s6 =	sadd.s32 @!p0 s3, s7;
	s7 =	simm.s32 @!p0 $0x108  }
0x21: {  	s3 =	sadd.s32 s3, s9;
	s6 =	sadd.s32 @!p0 $0x88, s6;
	s7 =	simm.s32 @p2 $0x1082  }
0x22: {  	[simem:s7], [sflag:s8] =	dma.local @!p0 [hbm:s6], $0xF7A  }
0x23: {  	s9 =	sor.u32 $0xD0000000, s2;
	s6 =	simm.s32 $0x108;
	_ =	swait.ge @!p0 [sflag:s8], $0x0  }
0x24: {  	s3 =	sadd.s32 $0x88, s3;
	s6 =	simm.s32 @!p1 $0x1082;
	[sflag:s4] =	ssyncset.s32 $0xFFFFF086  }
0x25: {  	[simem:s6], [sflag:s4] =	dma.local [hbm:s3], $0xF7A  }
0x26: {  	[smem:$0x3F9F] =	sst s1;
	(tag) =	ssettag s2;
	_ =	strace s9  }
0x27: {  	s1 =	sld [smem:$0x3FAF]  }
0x28: {  	s2 =	sld [smem:$0x3FB0]  }
0x29: {  	s4 =	sld [smem:$0x3FB2]  }
0x2a: {  	p0 =	seq.s32 s5, $0x0;
	s5 =	sld [smem:$0x3FB3]  }
0x2b: {  	s6 =	sld [smem:$0x3FB4]  }
0x2c: {  	s7 =	sld [smem:$0x3FB5]  }
0x2d: {  	s3 =	simm.s32 $0x108;
	s8 =	sld [smem:$0x3FB6]  }
0x2e: {  	s3 =	simm.s32 @!p0 $0x1082;
	s9 =	sld [smem:$0x3FB7]  }
0x2f: {  	lr =	sadd.s32 s0, s3;
	s0 =	sld [smem:$0x3FAE]  }
0x30: {  	s3 =	sld [smem:$0x3FB1]  }
0x31: {  	[smem:$0x3FBA] =	sst s10  }
0x32: {  	s10 =	sld [smem:$0x3FB8];
	_ =	sdelay $0x3  }
0x33: {  	p0 =	seq.s32 s10, $0x1;
	s10 =	sld [smem:$0x3FBA];
	_ =	sdelay $0x3  }
0x34: {  	[smem:$0x3FBA] =	sst s10  }
0x35: {  	s10 =	sld [smem:$0x3FB9];
	_ =	sdelay $0x3  }
0x36: {  	p1 =	seq.s32 s10, $0x1;
	s10 =	sld [smem:$0x3FBA];
	_ =	sdelay $0x3  }
0x37: {  	[smem:$0x3FBA] =	sst s10  }
0x38: {  	s10 =	sld [smem:$0x3FBB]  }
0x39: {  	_ = 	snop;
	(pc) =	sbr.ind lr, $3  }
0x3a: {  	_ = 	snop  }
0x3b: {  	_ = 	snop  }
0x3c: {  	p2 =	seq.s32 s10, $0x1;
	s10 =	sld [smem:$0x3FBA]  }
0x3d: {  	_ =	shalt  }
0x3e: {  	_ =	shalt  }
0x3f: {  	_ =	shalt  }
0x40: {  	_ =	shalt  }
0x41: {  	_ =	shalt  }
0x42: {  	_ =	shalt  }
0x43: {  	_ =	shalt  }
0x44: {  	_ =	shalt  }
0x45: {  	_ =	shalt  }
0x46: {  	_ =	shalt  }
0x47: {  	_ =	shalt  }
0x48: {  	_ =	shalt  }
0x49: {  	_ =	shalt  }
0x4a: {  	_ =	shalt  }
0x4b: {  	_ =	shalt  }
0x4c: {  	_ =	shalt  }
0x4d: {  	_ =	shalt  }
0x4e: {  	_ =	shalt  }
0x4f: {  	_ =	shalt  }
0x50: {  	_ =	shalt  }
0x51: {  	_ =	shalt  }
0x52: {  	_ =	shalt  }
0x53: {  	_ =	shalt  }
0x54: {  	_ =	shalt  }
0x55: {  	_ =	shalt  }
0x56: {  	_ =	shalt  }
0x57: {  	_ =	shalt  }
0x58: {  	_ =	shalt  }
0x59: {  	_ =	shalt  }
0x5a: {  	_ =	shalt  }
0x5b: {  	_ =	shalt  }
0x5c: {  	_ =	shalt  }
0x5d: {  	_ =	shalt  }
0x5e: {  	_ =	shalt  }
0x5f: {  	_ =	shalt  }
0x60: {  	_ =	shalt  }
0x61: {  	_ =	shalt  }
0x62: {  	_ =	shalt  }
0x63: {  	_ =	shalt  }
0x64: {  	_ =	shalt  }
0x65: {  	_ =	shalt  }
0x66: {  	_ =	shalt  }
0x67: {  	_ =	shalt  }
0x68: {  	_ =	shalt  }
0x69: {  	_ =	shalt  }
0x6a: {  	_ =	shalt  }
0x6b: {  	_ =	shalt  }
0x6c: {  	_ =	shalt  }
0x6d: {  	_ =	shalt  }
0x6e: {  	_ =	shalt  }
0x6f: {  	_ =	shalt  }
0x70: {  	_ =	shalt  }
0x71: {  	_ =	shalt  }
0x72: {  	_ =	shalt  }
0x73: {  	_ =	shalt  }
0x74: {  	_ =	shalt  }
0x75: {  	_ =	shalt  }
0x76: {  	_ =	shalt  }
0x77: {  	_ =	shalt  }
0x78: {  	_ =	shalt  }
0x79: {  	_ =	shalt  }
0x7a: {  	_ =	shalt  }
0x7b: {  	_ =	shalt  }
0x7c: {  	_ =	shalt  }
0x7d: {  	_ =	shalt  }
0x7e: {  	_ =	shalt  }
0x7f: {  	_ =	shalt  }
0x80: {  	_ =	shalt  }
0x81: {  	_ =	shalt  }
0x82: {  	_ =	shalt  }
0x83: {  	_ =	shalt  }
0x84: {  	_ =	shalt  }
0x85: {  	_ =	shalt  }
0x86: {  	_ =	shalt  }
0x87: {  	_ =	shalt  }
.Lfunc_end0:
.L_simem_size_0:
called_computation_lowered:
.L_overlay_start_0:
0x88: {  	s2 =	sld [smem:$0x3FD9]  }
0x89: {  	s3 =	sld [smem:$0x3FFE];
	_ =	sdelay $0x1  }
0x8a: {  	s1 =	srdreg.scid  }
0x8b: {  	s0 =	sand.u32 $0x1, s1  }
0x8c: {  	s14 =	sshll.u32 s0, $0xA;
	s2 =	sadd.s32 s3, s2  }
0x8d: {  	s2 =	sadd.s32 s2, s14  }
0x8e: {  	[smem:$0x3FC6] =	sst s2  }
0x8f: {  	_ = 	snop  }
0x90: {  	s2 =	sld [smem:$0x3FD0];
	_ =	sdelay $0x2  }
0x91: {  	s15 =	simm.s32 $0xA;
	s4 =	simm.s32 $0x10  }
0x92: {  	[smem:s4], [sflag:s15] =	dma.local [hbm:s2], $0x1  }
0x93: {  	_ =	swait.eq [sflag:s15], $0x1  }
0x94: {  	[sflag:s15] =	ssyncset.done $0x0  }
0x95: {  	[sflag:s15] =	ssyncadd.s32 $0xFFFFFFFF  }
0x96: {  	s16 =	sld [smem:$0x10];
	(tm) =	ssettm $0x1  }
0x97: {  	s17 =	sld [smem:$0x3FFB];
	_ =	sdelay $0x3  }
0x98: {  	_ =	strace s17  }
0x99: {  	s3 =	sld [smem:$0x3FFC];
	_ =	sdelay $0x3  }
0x9a: {  	_ =	strace s3  }
0x9b: {  	s3 =	sld [smem:$0x3FFD];
	_ =	sdelay $0x3  }
0x9c: {  	_ =	strace s3  }
0x9d: {  	_ =	strace $0x8FFFFFFF  }
0x9e: {  	s18 =	sld [smem:$0x3FDB];
	_ =	sdelay $0x1  }
0x9f: {  	s19 =	simm.s32 $_scs_section_size  }
0xa0: {  	s5 =	simm.s32 $_size__tile_overlayer_lowered;
	s6 =	simm.s32 $_tile_overlayer_lowered  }
0xa1: {  	s22 =	simm.s32 $0x1BFF;
	s21 =	sshll.u32 s6, $0x1;
	s3 =	sadd.s32 s19, s18  }
0xa2: {  	s7 =	simm.s32 $0x0;
	s20 =	sshll.u32 s5, $0x1;
	s5 =	sadd.s32 s21, s3  }
0xa3: {  	[timem:s7], [sflag:s22] =	dma.local [hbm:s5], s20  }
0xa4: {  	_ =	swait.ge [sflag:s22], s20  }
0xa5: {  	s4 =	ssub.s32 $0x0, s20;
	[sflag:s22] =	ssyncset.done $0x0  }
0xa6: {  	[sflag:s22] =	ssyncadd.s32 s4;
	_ =	sdelay $0x1  }
0xa7: {  	s23 =	simm.s32 $0x1B8B  }
0xa8: {  	_ =	swait.ge [sflag:s23], $0x1  }
0xa9: {  	[sflag:s23] =	ssyncset.done $0x0  }
0xaa: {  	s25 =	simm.s32 $0x1B8E;
	s24 =	sld [smem:$0x3FFE];
	[sflag:s23] =	ssyncadd.s32 $0xFFFFFFFF  }
0xab: {  	s26 =	simm.s32 $execute0_lowered;
	[smem:$0x3FD2] =	sst s25  }
0xac: {  	s5 =	sshll.u32 s26, $0x1;
	_ =	strace $0x80000046;
	[dreg:$0x1] =	wrdreg $0xFFFFFFFF  }
0xad: {  	s28 =	simm.s32 $_size_execute0_lowered;
	s3 =	sadd.s32 s3, s5;
	[dreg:$0x0] =	wrdreg $0x0  }
0xae: {  	s5 =	sshll.u32 s28, $0x1;
	[dreg:$0x2] =	wrdreg s3  }
0xaf: {  	[dreg:$0x3] =	wrdreg s5  }
0xb0: {  	[dreg:$0x4] =	wrdreg $0xC0  }
0xb1: {  	_ =	task [dreg:s7], $0x5FFFF  }
0xb2: {  	[dreg:$0x1] =	wrdreg $0xFFFFFFFF  }
0xb3: {  	[dreg:$0x0] =	wrdreg $0x60  }
0xb4: {  	[dreg:$0x2] =	wrdreg s24  }
0xb5: {  	[dreg:$0x3] =	wrdreg s16  }
0xb6: {  	[dreg:$0x4] =	wrdreg $0x9  }
0xb7: {  	_ =	task.clear_ibuf [dreg:s7], $0x5FFFF;
	_ =	strace $0x90000046  }
0xb8: {  	s29 =	simm.s32 $0x9;
	_ =	strace $0x80000048  }
0xb9: {  	_ =	swait.ge [sflag:s29], $0x1  }
0xba: {  	[sflag:s29] =	ssyncadd.s32 $0xFFFFFFFF  }
0xbb: {  	_ =	strace $0x90000048  }
0xbc: {  	_ =	sfence  }
0xbd: {  	s30 =	sld [smem:$0x0];
	_ =	sdelay $0x2  }
0xbe: {  	s31 =	sshll.u32 s1, $0xD;
	s1 =	sshrl.u32 s1, $0x2  }
0xbf: {  	s3 =	sand.u32 $0x4000, s31;
	s1 =	sadd.s32 s1, s30  }
0xc0: {  	s0 =	sor.u32 s3, s0;
	s1 =	sshll.u32 s1, $0x11  }
0xc1: {  	s0 =	sor.u32 s1, s0  }
0xc2: {  	s0 =	sadd.s32 $0x8F2B, s0  }
0xc3: {  	[sflag:s0] =	ssyncadd.remote.s32 $0x1  }
0xc4: {  	_ =	sfence.sel $0xFFFF  }
0xc5: {  	[dreg:$0x0] =	wrdreg $0xFFFFFFFF;
	(pc) =	sbr.abs _section_cstart, $3  }
0xc6: {  	[dreg:$0x1] =	wrdreg $0xFFFFFFFF  }
0xc7: {  	_ =	task.clear_ibuf [dreg:s7], $0x2FFFF;
	_ =	strace $0x9FFFFFFF  }
0xc8: {  	(tm) =	ssettm $0x7FFFFFFF  }
0xc9: {  	_ =	shalt  }
tec
execute0_lowered:
.L_overlay_start_1:
0x0: {  	(tag) =	ssettag $0x1  }
0x1: {  	s1 =	srdreg.scid  }
0x2: {  	s0 =	stileid.u32;
	s6 =	sand.u32 $0x1, s1  }
0x3: {  	s5 =	rddreg [dreg:$0x0];
	s30 =	sshll.u32 s0, $0x8;
	s2 =	sshll.u32 s6, $0x7  }
0x4: {  	s8 =	rddreg [dreg:$0x1];
	s9 =	sor.u32 s2, s30  }
0x5: {  	s1 =	rddreg [dreg:$0x2];
	s2 =	simm.s32 $0x0;
	s3 =	sshrl.u32 s9, $0x3  }
0x6: {  	s10 =	ssub.s32 $0x2, s6;
	[smem:$0x7FF] =	sst s2;
	s3 =	sadd.s32 s3, s5  }
0x7: {  	_ =	strace $0x80000047;
	s4 =	sadd.s32 $0xE00, s3;
	s3 =	simm.s32 $0x2  }
0x8: {  	[tilespmem:s2], [sflag:$0x2] =	stream.linear.gather [hbm4b:s4+s2], $0x80, $0x38;
	[tilespmem:$0x6080] =	vst v63  }
0x9: {  	s7 =	simm.s32 $0x1;
	s11 =	sshrl.u32 s10, $0x1;
	_ =	swait.ge [sflag:s3], $0x80  }
0xa: {  	s6 =	simm.s32 $0x80;
	s10 =	ssub.s32 s10, s11;
	[sflag:s3] =	ssyncset.done $0x0  }
0xb: {  	s5 =	sadd.s32 $0x1000, s5;
	s31 =	smax.u32 s10, $0x1;
	[sflag:s3] =	ssyncadd.s32 $0xFFFFFF80  }
0xc: {  	[tilespmem:s6], [sflag:$0x1] =	stream.indirect.gather [hbm4b:s5+s6], $0xC0, s2, s6, $0xb8;
	[tilespmem:$0x6080] =	vst v63  }
0xd: {  	s9 =	smul.u32 $0x18, s9;
	p0 =	sne.s32 s31, $0x1;
	_ =	swait.ge [sflag:s7], $0x6000  }
.Ltmp0:
0xe: {  	[sflag:s7] =	ssyncset.done $0x0;
	(pc) =	sbr.rel @!p0 .LBB2_2-.Ltmp0, $4  }
0xf: {  	s8 =	sadd.s32 s8, s9;
	[sflag:s7] =	ssyncadd.s32 $0xFFFFA000  }
0x10: {  	[hbm4b:s8+s2] =	stream.linear.scatter [tilespmem:s6], [sflag:$0x2], $0x6000, $0x38;
	[tilespmem:$0x6080] =	vst v63  }
0x11: {  	_ =	swait.ge [sflag:s3], $0x6000  }
0x12: {  	s9 =	sadd.s32 $0xFFFFFFFF, s31;
	[sflag:s3] =	ssyncset.done $0x0  }
.LBB2_1:
0x13: {  	p0 =	sne.s32 s9, $0x1;
	s9 =	sadd.s32 $0xFFFFFFFF, s9;
	[sflag:s3] =	ssyncadd.s32 $0xFFFFA000  }
0x14: {  	[tilespmem:s2], [sflag:$0x2] =	stream.linear.gather [hbm4b:s4+s2], $0x80, $0x38;
	[tilespmem:$0x6080] =	vst v63  }
0x15: {  	_ =	swait.ge [sflag:s3], $0x80  }
0x16: {  	[sflag:s3] =	ssyncset.done $0x0  }
0x17: {  	[sflag:s3] =	ssyncadd.s32 $0xFFFFFF80  }
0x18: {  	[tilespmem:s6], [sflag:$0x1] =	stream.indirect.gather [hbm4b:s5+s6], $0xC0, s2, s6, $0xb8;
	[tilespmem:$0x6080] =	vst v63  }
0x19: {  	_ =	swait.ge [sflag:s7], $0x6000  }
.Ltmp1:
0x1a: {  	[sflag:s7] =	ssyncset.done $0x0;
	(pc) =	sbr.rel @p0 .LBB2_1-.Ltmp1, $4  }
0x1b: {  	[sflag:s7] =	ssyncadd.s32 $0xFFFFA000  }
0x1c: {  	[hbm4b:s8+s2] =	stream.linear.scatter [tilespmem:s6], [sflag:$0x2], $0x6000, $0x38;
	[tilespmem:$0x6080] =	vst v63  }
0x1d: {  	_ =	swait.ge [sflag:s3], $0x6000  }
0x1e: {  	[sflag:s3] =	ssyncset.done $0x0  }
.LBB2_2:
0x1f: {  	[sflag:s3] =	ssyncadd.s32 $0xFFFFA000  }
0x20: {  	_ =	sfence.sel $0x180000  }
0x21: {  	[bflag:$0x0] =	sbarrier.arrive $0xFFFF  }
0x22: {  	p0 =	sne.s32 s0, $0x0;
	_ =	strace $0x90000047  }
0x23: {  	s0 =	sadd.s32 @!p0 $0x100000, s1;
	[bflag:$0x2] =	sbarrier.arrive $0xFFFF  }
0x24: {  	[sflag:s0] =	ssyncadd.tile.s32 @!p0 $0x1;
	_ =	shalt  }
.Lfunc_end2:
_tile_overlayer_lowered:
.L_overlay_start_2:
0x25: {  	(tag) =	ssettag $0x2  }
0x26: {  	s0 =	rddreg [dreg:$0x0];
	s2 =	stileid.u32  }
0x27: {  	s1 =	rddreg [dreg:$0x1];
	p0 =	sne.s32 s2, $0x0  }
0x28: {  	s3 =	rddreg [dreg:$0x2];
	[bflag:$0x3] =	sbarrier.arrive $0xFFFF;
	s2 =	simm.s32 @!p0 $0x1C02  }
0x29: {  	[timem:s3], [sflag:s2] =	dma.local @!p0 [hbm:s0], s1  }
0x2a: {  	s0 =	simm.s32 @!p0 $0x2  }
0x2b: {  	_ =	swait.ge @!p0 [sflag:s0], s1  }
0x2c: {  	s1 =	ssub.s32 @!p0 $0x0, s1;
	[sflag:s0] =	ssyncset.done @!p0 $0x0  }
0x2d: {  	[sflag:s0] =	ssyncadd.s32 @!p0 s1  }
0x2e: {  	[bflag:$0x3] =	sbarrier.arrive $0xFFFF  }
0x2f: {  	_ =	shalt  }

</sc_bundles>
